<compile_context>
chip_gen: v7x
topology: tpu7x:2x2x1
jax: 0.10.2.dev20260603
libtpu: 0.0.44.dev20260713+nightly
codegen_flags: <defaults>
</compile_context>

<pallas_src>
import functools

import jax
import jax.numpy as jnp
from jax import lax
from jax.experimental import pallas as pl
from jax.experimental.pallas import tpu as pltpu
from jax.experimental.pallas import tpu_sc as plsc

_N = 8192
_NT = 16
_CHUNK = _N // _NT
_L = 16
_NV = _CHUNK // _L

_CLASS = 42
_MIN = 0.1
_MAX = 1.0
_MATCHED_POINT = 1.5


@functools.partial(
    pl.kernel,
    out_type=jax.ShapeDtypeStruct((_L,), jnp.float32),
    mesh=plsc.VectorSubcoreMesh(
        core_axis_name="c", subcore_axis_name="s", num_cores=1
    ),
    compiler_params=pltpu.CompilerParams(skip_device_barrier=True),
    scratch_types=[
        pltpu.VMEM((_CHUNK + _L,), jnp.float32),
        pltpu.VMEM_SHARED(((_NT - 1) * _L,), jnp.float32),
        pltpu.SemaphoreType.DMA,
    ],
)
def _judge_sc(score_hbm, out_hbm, buf_v, shared, sem):
    sid = lax.axis_index("s")
    base = sid * _CHUNK

    cp = pltpu.async_copy(
        score_hbm.at[0, pl.ds(base, _CHUNK)], buf_v.at[pl.ds(0, _CHUNK)], sem)
    pltpu.sync_copy(score_hbm.at[0, pl.ds(40, _L)],
                    buf_v.at[pl.ds(_CHUNK, _L)])

    lane = lax.iota(jnp.int32, _L)
    cv = buf_v[pl.ds(_CHUNK, _L)]
    cb = cv.at[jnp.full((_L,), _CLASS - 40, jnp.int32)].get(
        mode="promise_in_bounds")

    cp.wait()

    one = jnp.full((_L,), 1.0, jnp.float32)
    zero = jnp.zeros((_L,), jnp.float32)

    def _count(i, acc):
        v0 = buf_v[pl.ds(i * 2 * _L, _L)]
        v1 = buf_v[pl.ds((i * 2 + 1) * _L, _L)]
        return (acc + jnp.where(v0 > cb, one, zero)
                + jnp.where(v1 > cb, one, zero))

    acc = lax.fori_loop(0, _NV // 2, _count, jnp.zeros((_L,), jnp.float32))

    @pl.when(sid != 0)
    def _stage():
        buf_v[pl.ds(_CHUNK, _L)] = acc
        pltpu.sync_copy(buf_v.at[pl.ds(_CHUNK, _L)],
                        shared.at[pl.ds((sid - 1) * _L, _L)])

    def _ties(i, t):
        v = buf_v[pl.ds(i * _L, _L)]
        g = (i * _L) + lane
        eq = jnp.where(v == cb, one, zero)
        lt42 = jnp.where(g < _CLASS, one, zero)
        return t + eq * lt42

    tie = lax.fori_loop(0, 3, _ties, acc)

    plsc.subcore_barrier()

    @pl.when(sid == 0)
    def _finish():
        pltpu.sync_copy(shared, buf_v.at[pl.ds(0, (_NT - 1) * _L)])

        def _merge(t, tot):
            return tot + buf_v[pl.ds(t * _L, _L)]

        tot = lax.fori_loop(0, _NT - 1, _merge, tie)
        for sh in (8, 4, 2, 1):
            tot = tot + tot.at[(lane + sh) & (_L - 1)].get(
                mode="promise_in_bounds")
        rank = tot

        hc = jnp.where(rank < 10.0, one, zero)
        inr = (jnp.where(cb >= _MIN, one, zero)
               * jnp.where(cb <= _MAX, one, zero))
        point = inr * _MATCHED_POINT + (one - inr) * hc
        buf_v[pl.ds(_CHUNK, _L)] = jnp.where(lane == 0, point, zero)
        pltpu.sync_copy(buf_v.at[pl.ds(_CHUNK, _L)], out_hbm)


def kernel(score):
    out = _judge_sc(score)
    point = out[0]
    return point > 0.5, point

# --- scband reference (transcript-rebuilt; emitter-appended) ---
"""Pipeline reference for scband-cough-frame-judgement-layer-52166672778114 (READ-ONLY COPY).

The authoritative reference and input builder live on the scoring server;
editing this copy changes nothing except your own understanding.
"""

import jax, jax.numpy as jnp
import numpy as np

COUGH_COMBINATION_COUNT = 1
COUGH_COMBINATION_GROUP_SIZE = 1
COUGH_COMBINATION_LIST = np.array([[[42, 0.1, 1.0]]], dtype=np.float32)
COUGH_SCORE = np.array([1.5], dtype=np.float32)


def setup_inputs(seed: int = 0) -> dict:
    key = jax.random.key(seed)
    score = jax.random.uniform(key, (1, 8192), dtype=jnp.float32)
    return {"score": score}


def reference(score):
    # squeeze batch axis (original: tf.squeeze(score, axis=0))
    s = jnp.squeeze(score, axis=0)

    # --- combination while-loop, unrolled (count=1, group_size=1) ---
    # one_frame_judgement for combination 0, row 0
    row = jnp.asarray(COUGH_COMBINATION_LIST)[0][0]
    class_number = jnp.int32(row[0])  # 42
    min_value = row[1]
    max_value = row[2]
    in_range = jnp.logical_and(s[class_number] >= min_value, s[class_number] <= max_value)
    combo_judgement = in_range  # judgement after loop; loop index ends at 1

    # point if combination matched: round(cough_score[index-1] * 100) / 100
    matched_point = jnp.round(jnp.asarray(COUGH_SCORE)[0] * 100.0) / 100.0

    # --- is_cough_top_10 branch ---
    _, topk_idx = jax.lax.top_k(s, 10)
    topk_idx = topk_idx.astype(jnp.int32)
    has_cough = jnp.any(topk_idx == jnp.int32(42))
    top10_point = jnp.where(has_cough, jnp.float32(1.0), jnp.float32(0.0))

    # tf.cond(not judgement, is_cough_top_10, matched branch)
    judgement = jnp.where(jnp.logical_not(combo_judgement), has_cough, combo_judgement)
    point = jnp.where(jnp.logical_not(combo_judgement), top10_point, jnp.float32(matched_point))
    return (judgement, point)

if __name__ == "__main__":
    import jax
    _d = setup_inputs()
    print(jax.jit(kernel)(*tuple(_d.values())))

</pallas_src>

<mosaic_0001>
#map = affine_map<(d0, d1) -> (0, 0)>
#map1 = affine_map<(d0, d1) -> (0)>
module attributes {stable_mosaic.version = 14 : i64} {
  func.func @_judge_sc(%arg0: i32, %arg1: i32, %arg2: memref<1x8192xf32, #tpu.memory_space<hbm>>, %arg3: memref<16xf32, #tpu.memory_space<hbm>>, %arg4: memref<528xf32, #tpu.memory_space<vmem>>, %arg5: memref<240xf32, #tpu.memory_space<vmem_shared>>, %arg6: memref<!tpu.dma_semaphore, #tpu.memory_space<semaphore_mem>>) attributes {dimension_semantics = [#tpu.dimension_semantics<core_parallel>, #tpu.dimension_semantics<subcore_parallel>], iteration_bounds = array<i64: 1, 16>, scalar_prefetch = 0 : i64, scratch_operands = 3 : i64, tpu.core_type = #tpu.core_type<sc_vector_subcore>, window_params = [{transform_indices = #map}, {transform_indices = #map1}]} {
    %mul3A = arith.constant 512 : i32
    %mul3A_0 = arith.muli %arg1, %mul3A : i32
    %dma_start3A = arith.constant 0 : i32
    %dma_start3A_1 = arith.constant 0 : i32
    %dma_start3A_2 = tpu.memref_slice %arg4[%dma_start3A_1] : memref<528xf32, #tpu.memory_space<vmem>> -> memref<512xf32, #tpu.memory_space<vmem>>
    %dma_start3A_3 = tpu.memref_slice %arg2[%dma_start3A, %mul3A_0] : memref<1x8192xf32, #tpu.memory_space<hbm>> -> memref<1x512xf32, #tpu.memory_space<hbm>>
    %dma_start3A_4 = tpu.memref_squeeze %dma_start3A_3 : memref<1x512xf32, #tpu.memory_space<hbm>> -> memref<512xf32, #tpu.memory_space<hbm>>
    %dma_start3A_5 = arith.constant 0 : i32
    %dma_start3A_6 = tpu.memref_slice %arg4[%dma_start3A_5] : memref<528xf32, #tpu.memory_space<vmem>> -> memref<512xf32, #tpu.memory_space<vmem>>
    %dma_start3A_7 = tpu.memref_slice %arg2[%dma_start3A, %mul3A_0] : memref<1x8192xf32, #tpu.memory_space<hbm>> -> memref<1x512xf32, #tpu.memory_space<hbm>>
    %dma_start3A_8 = tpu.memref_squeeze %dma_start3A_7 : memref<1x512xf32, #tpu.memory_space<hbm>> -> memref<512xf32, #tpu.memory_space<hbm>>
    tpu.enqueue_dma source(%dma_start3A_8 : memref<512xf32, #tpu.memory_space<hbm>>) target(%dma_start3A_6 : memref<512xf32, #tpu.memory_space<vmem>>) target_semaphore(%arg6 : memref<!tpu.dma_semaphore, #tpu.memory_space<semaphore_mem>>)
    %run_scoped3A = arith.constant 0 : i32
    "tpu.region"() ({
      %run_scoped3A_49 = tpu.sem_alloc : memref<!tpu.dma_semaphore, #tpu.memory_space<semaphore_mem>>
      %dma_start3A_50 = arith.constant 512 : i32
      %dma_start3A_51 = tpu.memref_slice %arg4[%dma_start3A_50] : memref<528xf32, #tpu.memory_space<vmem>> -> memref<16xf32, #tpu.memory_space<vmem>>
      %dma_start3A_52 = arith.constant 40 : i32
      %dma_start3A_53 = tpu.memref_slice %arg2[%run_scoped3A, %dma_start3A_52] : memref<1x8192xf32, #tpu.memory_space<hbm>> -> memref<1x16xf32, #tpu.memory_space<hbm>>
      %dma_start3A_54 = tpu.memref_squeeze %dma_start3A_53 : memref<1x16xf32, #tpu.memory_space<hbm>> -> memref<16xf32, #tpu.memory_space<hbm>>
      %dma_start3A_55 = arith.constant 512 : i32
      %dma_start3A_56 = tpu.memref_slice %arg4[%dma_start3A_55] : memref<528xf32, #tpu.memory_space<vmem>> -> memref<16xf32, #tpu.memory_space<vmem>>
      %dma_start3A_57 = arith.constant 40 : i32
      %dma_start3A_58 = tpu.memref_slice %arg2[%run_scoped3A, %dma_start3A_57] : memref<1x8192xf32, #tpu.memory_space<hbm>> -> memref<1x16xf32, #tpu.memory_space<hbm>>
      %dma_start3A_59 = tpu.memref_squeeze %dma_start3A_58 : memref<1x16xf32, #tpu.memory_space<hbm>> -> memref<16xf32, #tpu.memory_space<hbm>>
      tpu.enqueue_dma source(%dma_start3A_59 : memref<16xf32, #tpu.memory_space<hbm>>) target(%dma_start3A_56 : memref<16xf32, #tpu.memory_space<vmem>>) target_semaphore(%run_scoped3A_49 : memref<!tpu.dma_semaphore, #tpu.memory_space<semaphore_mem>>)
      %dma_wait3A_60 = arith.constant 512 : i32
      %dma_wait3A_61 = tpu.memref_slice %arg4[%dma_wait3A_60] : memref<528xf32, #tpu.memory_space<vmem>> -> memref<16xf32, #tpu.memory_space<vmem>>
      %dma_wait3A_62 = arith.constant 40 : i32
      %dma_wait3A_63 = tpu.memref_slice %arg2[%run_scoped3A, %dma_wait3A_62] : memref<1x8192xf32, #tpu.memory_space<hbm>> -> memref<1x16xf32, #tpu.memory_space<hbm>>
      %dma_wait3A_64 = tpu.memref_squeeze %dma_wait3A_63 : memref<1x16xf32, #tpu.memory_space<hbm>> -> memref<16xf32, #tpu.memory_space<hbm>>
      %dma_wait3A_65 = arith.constant 512 : i32
      %dma_wait3A_66 = tpu.memref_slice %arg4[%dma_wait3A_65] : memref<528xf32, #tpu.memory_space<vmem>> -> memref<16xf32, #tpu.memory_space<vmem>>
      %dma_wait3A_67 = arith.constant 40 : i32
      %dma_wait3A_68 = tpu.memref_slice %arg2[%run_scoped3A, %dma_wait3A_67] : memref<1x8192xf32, #tpu.memory_space<hbm>> -> memref<1x16xf32, #tpu.memory_space<hbm>>
      %dma_wait3A_69 = tpu.memref_squeeze %dma_wait3A_68 : memref<1x16xf32, #tpu.memory_space<hbm>> -> memref<16xf32, #tpu.memory_space<hbm>>
      tpu.wait_dma2 semaphore(%run_scoped3A_49 : memref<!tpu.dma_semaphore, #tpu.memory_space<semaphore_mem>>) src(%dma_wait3A_69 : memref<16xf32, #tpu.memory_space<hbm>>) dst(%dma_wait3A_66 : memref<16xf32, #tpu.memory_space<vmem>>)
      tpu.yield
    }) : () -> ()
    %iota3A = tpu.iota {dimensions = array<i32: 0>} : vector<16xi32>
    %get3A = arith.constant 512 : index
    %get3A_9 = tpu.vector_load %arg4[%get3A] {strides = array<i32>} : memref<528xf32, #tpu.memory_space<vmem>>, vector<16xf32>,
    %get3A_10 = vector.shape_cast %get3A_9 : vector<16xf32> to vector<16xf32>
    %broadcast_in_dim3A = arith.constant 2 : i32
    %broadcast_in_dim3A_11 = vector.broadcast %broadcast_in_dim3A : i32 to vector<16xi32>
    %lt3A = arith.constant 0 : i32
    %lt3A_12 = vector.broadcast %lt3A : i32 to vector<16xi32>
    %lt3A_13 = arith.cmpi slt, %broadcast_in_dim3A_11, %lt3A_12 : vector<16xi32>
    %add3A = arith.constant 16 : i32
    %add3A_14 = vector.broadcast %add3A : i32 to vector<16xi32>
    %add3A_15 = arith.addi %broadcast_in_dim3A_11, %add3A_14 : vector<16xi32>
    %select_n3A = arith.select %lt3A_13, %add3A_15, %broadcast_in_dim3A_11 : vector<16xi1>, vector<16xi32>
    %broadcast_in_dim3A_16 = vector.shape_cast %select_n3A : vector<16xi32> to vector<16x1xi32>
    %gather3A = vector.shape_cast %broadcast_in_dim3A_16 : vector<16x1xi32> to vector<16xi32>
    %gather3A_17 = tpu.dynamic_gather %get3A_10[%gather3A] in [0] : vector<16xf32>, vector<16xi32> -> vector<16xf32>
    %dma_wait3A = arith.constant 0 : i32
    %dma_wait3A_18 = arith.constant 0 : i32
    %dma_wait3A_19 = tpu.memref_slice %arg4[%dma_wait3A_18] : memref<528xf32, #tpu.memory_space<vmem>> -> memref<512xf32, #tpu.memory_space<vmem>>
    %dma_wait3A_20 = tpu.memref_slice %arg2[%dma_wait3A, %mul3A_0] : memref<1x8192xf32, #tpu.memory_space<hbm>> -> memref<1x512xf32, #tpu.memory_space<hbm>>
    %dma_wait3A_21 = tpu.memref_squeeze %dma_wait3A_20 : memref<1x512xf32, #tpu.memory_space<hbm>> -> memref<512xf32, #tpu.memory_space<hbm>>
    %dma_wait3A_22 = arith.constant 0 : i32
    %dma_wait3A_23 = tpu.memref_slice %arg4[%dma_wait3A_22] : memref<528xf32, #tpu.memory_space<vmem>> -> memref<512xf32, #tpu.memory_space<vmem>>
    %dma_wait3A_24 = tpu.memref_slice %arg2[%dma_wait3A, %mul3A_0] : memref<1x8192xf32, #tpu.memory_space<hbm>> -> memref<1x512xf32, #tpu.memory_space<hbm>>
    %dma_wait3A_25 = tpu.memref_squeeze %dma_wait3A_24 : memref<1x512xf32, #tpu.memory_space<hbm>> -> memref<512xf32, #tpu.memory_space<hbm>>
    tpu.wait_dma2 semaphore(%arg6 : memref<!tpu.dma_semaphore, #tpu.memory_space<semaphore_mem>>) src(%dma_wait3A_25 : memref<512xf32, #tpu.memory_space<hbm>>) dst(%dma_wait3A_23 : memref<512xf32, #tpu.memory_space<vmem>>)
    %broadcast_in_dim3A_26 = arith.constant 1.000000e+00 : f32
    %broadcast_in_dim3A_27 = vector.broadcast %broadcast_in_dim3A_26 : f32 to vector<16xf32>
    %broadcast_in_dim3A_28 = arith.constant 0.000000e+00 : f32
    %broadcast_in_dim3A_29 = vector.broadcast %broadcast_in_dim3A_28 : f32 to vector<16xf32>
    %broadcast_in_dim3A_30 = arith.constant 0.000000e+00 : f32
    %broadcast_in_dim3A_31 = vector.broadcast %broadcast_in_dim3A_30 : f32 to vector<16xf32>
    %scan3A = arith.constant 0 : i32
    %scan3A_32 = arith.constant 16 : i32
    %scan3A_33 = arith.addi %scan3A, %scan3A_32 : i32
    %scan3A_34 = arith.constant 1 : i32
    %scan3A_35 = scf.for %scan3A_49 = %scan3A to %scan3A_33 step %scan3A_34 iter_args(%scan3A_50 = %broadcast_in_dim3A_31) -> (vector<16xf32>)  : i32 {
      %mul3A_51 = arith.constant 2 : i32
      %mul3A_52 = arith.muli %scan3A_49, %mul3A_51 : i32
      %mul3A_53 = arith.constant 16 : i32
      %mul3A_54 = arith.muli %mul3A_52, %mul3A_53 : i32
      %get3A_55 = arith.index_cast %mul3A_54 : i32 to index
      %get3A_56 = tpu.vector_load %arg4[%get3A_55] {strides = array<i32>} : memref<528xf32, #tpu.memory_space<vmem>>, vector<16xf32>,
      %get3A_57 = vector.shape_cast %get3A_56 : vector<16xf32> to vector<16xf32>
      %mul3A_58 = arith.constant 2 : i32
      %mul3A_59 = arith.muli %scan3A_49, %mul3A_58 : i32
      %add3A_60 = arith.constant 1 : i32
      %add3A_61 = arith.addi %mul3A_59, %add3A_60 : i32
      %mul3A_62 = arith.constant 16 : i32
      %mul3A_63 = arith.muli %add3A_61, %mul3A_62 : i32
      %get3A_64 = arith.index_cast %mul3A_63 : i32 to index
      %get3A_65 = tpu.vector_load %arg4[%get3A_64] {strides = array<i32>} : memref<528xf32, #tpu.memory_space<vmem>>, vector<16xf32>,
      %get3A_66 = vector.shape_cast %get3A_65 : vector<16xf32> to vector<16xf32>
      %gt3A = arith.cmpf ogt, %get3A_57, %gather3A_17 : vector<16xf32>
      %select_n3A_67 = arith.select %gt3A, %broadcast_in_dim3A_27, %broadcast_in_dim3A_29 : vector<16xi1>, vector<16xf32>
      %add3A_68 = arith.addf %scan3A_50, %select_n3A_67 : vector<16xf32>
      %gt3A_69 = arith.cmpf ogt, %get3A_66, %gather3A_17 : vector<16xf32>
      %select_n3A_70 = arith.select %gt3A_69, %broadcast_in_dim3A_27, %broadcast_in_dim3A_29 : vector<16xi1>, vector<16xf32>
      %add3A_71 = arith.addf %add3A_68, %select_n3A_70 : vector<16xf32>
      scf.yield %add3A_71 : vector<16xf32>
    }
    %scan3A_36 = arith.constant 16 : i32
    %ne3A = arith.constant 0 : i32
    %ne3A_37 = arith.cmpi ne, %arg1, %ne3A : i32
    %convert_element_type3A = arith.extui %ne3A_37 : i1 to i32
    %cond3A = arith.constant 0 : i32
    %cond3A_38 = arith.cmpi ne, %convert_element_type3A, %cond3A : i32
    scf.if %cond3A_38 {
      %swap3A = arith.constant 512 : index
      %swap3A_49 = tpu.vector_load %arg4[%swap3A] {strides = array<i32>} : memref<528xf32, #tpu.memory_space<vmem>>, vector<16xf32>,
      %swap3A_50 = vector.shape_cast %swap3A_49 : vector<16xf32> to vector<16xf32>
      %swap3A_51 = vector.shape_cast %scan3A_35 : vector<16xf32> to vector<16xf32>
      tpu.vector_store %arg4[%swap3A], %swap3A_51 {strides = array<i32>} : memref<528xf32, #tpu.memory_space<vmem>>, vector<16xf32>,
      %sub3A = arith.constant 1 : i32
      %sub3A_52 = arith.subi %arg1, %sub3A : i32
      %mul3A_53 = arith.constant 16 : i32
      %mul3A_54 = arith.muli %sub3A_52, %mul3A_53 : i32
      "tpu.region"() ({
        %run_scoped3A_55 = tpu.sem_alloc : memref<!tpu.dma_semaphore, #tpu.memory_space<semaphore_mem>>
        %dma_start3A_56 = arith.constant 512 : i32
        %dma_start3A_57 = tpu.memref_slice %arg4[%dma_start3A_56] : memref<528xf32, #tpu.memory_space<vmem>> -> memref<16xf32, #tpu.memory_space<vmem>>
        %dma_start3A_58 = tpu.memref_slice %arg5[%mul3A_54] : memref<240xf32, #tpu.memory_space<vmem_shared>> -> memref<16xf32, #tpu.memory_space<vmem_shared>>
        %dma_start3A_59 = tpu.memref_slice %arg5[%mul3A_54] : memref<240xf32, #tpu.memory_space<vmem_shared>> -> memref<16xf32, #tpu.memory_space<vmem_shared>>
        %dma_start3A_60 = arith.constant 512 : i32
        %dma_start3A_61 = tpu.memref_slice %arg4[%dma_start3A_60] : memref<528xf32, #tpu.memory_space<vmem>> -> memref<16xf32, #tpu.memory_space<vmem>>
        tpu.enqueue_dma source(%dma_start3A_61 : memref<16xf32, #tpu.memory_space<vmem>>) target(%dma_start3A_59 : memref<16xf32, #tpu.memory_space<vmem_shared>>) target_semaphore(%run_scoped3A_55 : memref<!tpu.dma_semaphore, #tpu.memory_space<semaphore_mem>>)
        %dma_wait3A_62 = arith.constant 512 : i32
        %dma_wait3A_63 = tpu.memref_slice %arg4[%dma_wait3A_62] : memref<528xf32, #tpu.memory_space<vmem>> -> memref<16xf32, #tpu.memory_space<vmem>>
        %dma_wait3A_64 = tpu.memref_slice %arg5[%mul3A_54] : memref<240xf32, #tpu.memory_space<vmem_shared>> -> memref<16xf32, #tpu.memory_space<vmem_shared>>
        %dma_wait3A_65 = tpu.memref_slice %arg5[%mul3A_54] : memref<240xf32, #tpu.memory_space<vmem_shared>> -> memref<16xf32, #tpu.memory_space<vmem_shared>>
        %dma_wait3A_66 = arith.constant 512 : i32
        %dma_wait3A_67 = tpu.memref_slice %arg4[%dma_wait3A_66] : memref<528xf32, #tpu.memory_space<vmem>> -> memref<16xf32, #tpu.memory_space<vmem>>
        tpu.wait_dma2 semaphore(%run_scoped3A_55 : memref<!tpu.dma_semaphore, #tpu.memory_space<semaphore_mem>>) src(%dma_wait3A_67 : memref<16xf32, #tpu.memory_space<vmem>>) dst(%dma_wait3A_65 : memref<16xf32, #tpu.memory_space<vmem_shared>>)
        tpu.yield
      }) : () -> ()
    } else {
    }
    %scan3A_39 = arith.constant 0 : i32
    %scan3A_40 = arith.constant 3 : i32
    %scan3A_41 = arith.addi %scan3A_39, %scan3A_40 : i32
    %scan3A_42 = arith.constant 1 : i32
    %scan3A_43 = scf.for %scan3A_49 = %scan3A_39 to %scan3A_41 step %scan3A_42 iter_args(%scan3A_50 = %scan3A_35) -> (vector<16xf32>)  : i32 {
      %mul3A_51 = arith.constant 16 : i32
      %mul3A_52 = arith.muli %scan3A_49, %mul3A_51 : i32
      %get3A_53 = arith.index_cast %mul3A_52 : i32 to index
      %get3A_54 = tpu.vector_load %arg4[%get3A_53] {strides = array<i32>} : memref<528xf32, #tpu.memory_space<vmem>>, vector<16xf32>,
      %get3A_55 = vector.shape_cast %get3A_54 : vector<16xf32> to vector<16xf32>
      %mul3A_56 = arith.constant 16 : i32
      %mul3A_57 = arith.muli %scan3A_49, %mul3A_56 : i32
      %add3A_58 = vector.broadcast %mul3A_57 : i32 to vector<16xi32>
      %add3A_59 = arith.addi %add3A_58, %iota3A : vector<16xi32>
      %eq3A_60 = arith.cmpf oeq, %get3A_55, %gather3A_17 : vector<16xf32>
      %select_n3A_61 = arith.select %eq3A_60, %broadcast_in_dim3A_27, %broadcast_in_dim3A_29 : vector<16xi1>, vector<16xf32>
      %lt3A_62 = arith.constant 42 : i32
      %lt3A_63 = vector.broadcast %lt3A_62 : i32 to vector<16xi32>
      %lt3A_64 = arith.cmpi slt, %add3A_59, %lt3A_63 : vector<16xi32>
      %select_n3A_65 = arith.select %lt3A_64, %broadcast_in_dim3A_27, %broadcast_in_dim3A_29 : vector<16xi1>, vector<16xf32>
      %mul3A_66 = arith.mulf %select_n3A_61, %select_n3A_65 : vector<16xf32>
      %add3A_67 = arith.addf %scan3A_50, %mul3A_66 : vector<16xf32>
      scf.yield %add3A_67 : vector<16xf32>
    }
    %scan3A_44 = arith.constant 3 : i32
    %barrier3A = arith.constant 0 : index
    tpu.barrier barrier_id(%barrier3A)
    %eq3A = arith.constant 0 : i32
    %eq3A_45 = arith.cmpi eq, %arg1, %eq3A : i32
    %convert_element_type3A_46 = arith.extui %eq3A_45 : i1 to i32
    %cond3A_47 = arith.constant 0 : i32
    %cond3A_48 = arith.cmpi ne, %convert_element_type3A_46, %cond3A_47 : i32
    scf.if %cond3A_48 {
      "tpu.region"() ({
        %run_scoped3A_145 = tpu.sem_alloc : memref<!tpu.dma_semaphore, #tpu.memory_space<semaphore_mem>>
        %dma_start3A_146 = arith.constant 0 : i32
        %dma_start3A_147 = tpu.memref_slice %arg4[%dma_start3A_146] : memref<528xf32, #tpu.memory_space<vmem>> -> memref<240xf32, #tpu.memory_space<vmem>>
        %dma_start3A_148 = arith.constant 0 : i32
        %dma_start3A_149 = tpu.memref_slice %arg4[%dma_start3A_148] : memref<528xf32, #tpu.memory_space<vmem>> -> memref<240xf32, #tpu.memory_space<vmem>>
        tpu.enqueue_dma source(%arg5 : memref<240xf32, #tpu.memory_space<vmem_shared>>) target(%dma_start3A_149 : memref<240xf32, #tpu.memory_space<vmem>>) target_semaphore(%run_scoped3A_145 : memref<!tpu.dma_semaphore, #tpu.memory_space<semaphore_mem>>)
        %dma_wait3A_150 = arith.constant 0 : i32
        %dma_wait3A_151 = tpu.memref_slice %arg4[%dma_wait3A_150] : memref<528xf32, #tpu.memory_space<vmem>> -> memref<240xf32, #tpu.memory_space<vmem>>
        %dma_wait3A_152 = arith.constant 0 : i32
        %dma_wait3A_153 = tpu.memref_slice %arg4[%dma_wait3A_152] : memref<528xf32, #tpu.memory_space<vmem>> -> memref<240xf32, #tpu.memory_space<vmem>>
        tpu.wait_dma2 semaphore(%run_scoped3A_145 : memref<!tpu.dma_semaphore, #tpu.memory_space<semaphore_mem>>) src(%arg5 : memref<240xf32, #tpu.memory_space<vmem_shared>>) dst(%dma_wait3A_153 : memref<240xf32, #tpu.memory_space<vmem>>)
        tpu.yield
      }) : () -> ()
      %scan3A_49 = arith.constant 0 : i32
      %scan3A_50 = arith.constant 15 : i32
      %scan3A_51 = arith.addi %scan3A_49, %scan3A_50 : i32
      %scan3A_52 = arith.constant 1 : i32
      %scan3A_53 = scf.for %scan3A_145 = %scan3A_49 to %scan3A_51 step %scan3A_52 iter_args(%scan3A_146 = %scan3A_43) -> (vector<16xf32>)  : i32 {
        %mul3A_147 = arith.constant 16 : i32
        %mul3A_148 = arith.muli %scan3A_145, %mul3A_147 : i32
        %get3A_149 = arith.index_cast %mul3A_148 : i32 to index
        %get3A_150 = tpu.vector_load %arg4[%get3A_149] {strides = array<i32>} : memref<528xf32, #tpu.memory_space<vmem>>, vector<16xf32>,
        %get3A_151 = vector.shape_cast %get3A_150 : vector<16xf32> to vector<16xf32>
        %add3A_152 = arith.addf %scan3A_146, %get3A_151 : vector<16xf32>
        scf.yield %add3A_152 : vector<16xf32>
      }
      %scan3A_54 = arith.constant 15 : i32
      %add3A_55 = arith.constant 8 : i32
      %add3A_56 = vector.broadcast %add3A_55 : i32 to vector<16xi32>
      %add3A_57 = arith.addi %iota3A, %add3A_56 : vector<16xi32>
      %and3A = arith.constant 15 : i32
      %and3A_58 = vector.broadcast %and3A : i32 to vector<16xi32>
      %and3A_59 = arith.andi %add3A_57, %and3A_58 : vector<16xi32>
      %lt3A_60 = arith.constant 0 : i32
      %lt3A_61 = vector.broadcast %lt3A_60 : i32 to vector<16xi32>
      %lt3A_62 = arith.cmpi slt, %and3A_59, %lt3A_61 : vector<16xi32>
      %add3A_63 = arith.constant 16 : i32
      %add3A_64 = vector.broadcast %add3A_63 : i32 to vector<16xi32>
      %add3A_65 = arith.addi %and3A_59, %add3A_64 : vector<16xi32>
      %select_n3A_66 = arith.select %lt3A_62, %add3A_65, %and3A_59 : vector<16xi1>, vector<16xi32>
      %broadcast_in_dim3A_67 = vector.shape_cast %select_n3A_66 : vector<16xi32> to vector<16x1xi32>
      %gather3A_68 = vector.shape_cast %broadcast_in_dim3A_67 : vector<16x1xi32> to vector<16xi32>
      %gather3A_69 = tpu.dynamic_gather %scan3A_53[%gather3A_68] in [0] : vector<16xf32>, vector<16xi32> -> vector<16xf32>
      %add3A_70 = arith.addf %scan3A_53, %gather3A_69 : vector<16xf32>
      %add3A_71 = arith.constant 4 : i32
      %add3A_72 = vector.broadcast %add3A_71 : i32 to vector<16xi32>
      %add3A_73 = arith.addi %iota3A, %add3A_72 : vector<16xi32>
      %and3A_74 = arith.constant 15 : i32
      %and3A_75 = vector.broadcast %and3A_74 : i32 to vector<16xi32>
      %and3A_76 = arith.andi %add3A_73, %and3A_75 : vector<16xi32>
      %lt3A_77 = arith.constant 0 : i32
      %lt3A_78 = vector.broadcast %lt3A_77 : i32 to vector<16xi32>
      %lt3A_79 = arith.cmpi slt, %and3A_76, %lt3A_78 : vector<16xi32>
      %add3A_80 = arith.constant 16 : i32
      %add3A_81 = vector.broadcast %add3A_80 : i32 to vector<16xi32>
      %add3A_82 = arith.addi %and3A_76, %add3A_81 : vector<16xi32>
      %select_n3A_83 = arith.select %lt3A_79, %add3A_82, %and3A_76 : vector<16xi1>, vector<16xi32>
      %broadcast_in_dim3A_84 = vector.shape_cast %select_n3A_83 : vector<16xi32> to vector<16x1xi32>
      %gather3A_85 = vector.shape_cast %broadcast_in_dim3A_84 : vector<16x1xi32> to vector<16xi32>
      %gather3A_86 = tpu.dynamic_gather %add3A_70[%gather3A_85] in [0] : vector<16xf32>, vector<16xi32> -> vector<16xf32>
      %add3A_87 = arith.addf %add3A_70, %gather3A_86 : vector<16xf32>
      %add3A_88 = arith.constant 2 : i32
      %add3A_89 = vector.broadcast %add3A_88 : i32 to vector<16xi32>
      %add3A_90 = arith.addi %iota3A, %add3A_89 : vector<16xi32>
      %and3A_91 = arith.constant 15 : i32
      %and3A_92 = vector.broadcast %and3A_91 : i32 to vector<16xi32>
      %and3A_93 = arith.andi %add3A_90, %and3A_92 : vector<16xi32>
      %lt3A_94 = arith.constant 0 : i32
      %lt3A_95 = vector.broadcast %lt3A_94 : i32 to vector<16xi32>
      %lt3A_96 = arith.cmpi slt, %and3A_93, %lt3A_95 : vector<16xi32>
      %add3A_97 = arith.constant 16 : i32
      %add3A_98 = vector.broadcast %add3A_97 : i32 to vector<16xi32>
      %add3A_99 = arith.addi %and3A_93, %add3A_98 : vector<16xi32>
      %select_n3A_100 = arith.select %lt3A_96, %add3A_99, %and3A_93 : vector<16xi1>, vector<16xi32>
      %broadcast_in_dim3A_101 = vector.shape_cast %select_n3A_100 : vector<16xi32> to vector<16x1xi32>
      %gather3A_102 = vector.shape_cast %broadcast_in_dim3A_101 : vector<16x1xi32> to vector<16xi32>
      %gather3A_103 = tpu.dynamic_gather %add3A_87[%gather3A_102] in [0] : vector<16xf32>, vector<16xi32> -> vector<16xf32>
      %add3A_104 = arith.addf %add3A_87, %gather3A_103 : vector<16xf32>
      %add3A_105 = arith.constant 1 : i32
      %add3A_106 = vector.broadcast %add3A_105 : i32 to vector<16xi32>
      %add3A_107 = arith.addi %iota3A, %add3A_106 : vector<16xi32>
      %and3A_108 = arith.constant 15 : i32
      %and3A_109 = vector.broadcast %and3A_108 : i32 to vector<16xi32>
      %and3A_110 = arith.andi %add3A_107, %and3A_109 : vector<16xi32>
      %lt3A_111 = arith.constant 0 : i32
      %lt3A_112 = vector.broadcast %lt3A_111 : i32 to vector<16xi32>
      %lt3A_113 = arith.cmpi slt, %and3A_110, %lt3A_112 : vector<16xi32>
      %add3A_114 = arith.constant 16 : i32
      %add3A_115 = vector.broadcast %add3A_114 : i32 to vector<16xi32>
      %add3A_116 = arith.addi %and3A_110, %add3A_115 : vector<16xi32>
      %select_n3A_117 = arith.select %lt3A_113, %add3A_116, %and3A_110 : vector<16xi1>, vector<16xi32>
      %broadcast_in_dim3A_118 = vector.shape_cast %select_n3A_117 : vector<16xi32> to vector<16x1xi32>
      %gather3A_119 = vector.shape_cast %broadcast_in_dim3A_118 : vector<16x1xi32> to vector<16xi32>
      %gather3A_120 = tpu.dynamic_gather %add3A_104[%gather3A_119] in [0] : vector<16xf32>, vector<16xi32> -> vector<16xf32>
      %add3A_121 = arith.addf %add3A_104, %gather3A_120 : vector<16xf32>
      %lt3A_122 = arith.constant 1.000000e+01 : f32
      %lt3A_123 = vector.broadcast %lt3A_122 : f32 to vector<16xf32>
      %lt3A_124 = arith.cmpf olt, %add3A_121, %lt3A_123 : vector<16xf32>
      %select_n3A_125 = arith.select %lt3A_124, %broadcast_in_dim3A_27, %broadcast_in_dim3A_29 : vector<16xi1>, vector<16xf32>
      %ge3A = arith.constant 1.000000e-01 : f32
      %ge3A_126 = vector.broadcast %ge3A : f32 to vector<16xf32>
      %ge3A_127 = arith.cmpf oge, %gather3A_17, %ge3A_126 : vector<16xf32>
      %select_n3A_128 = arith.select %ge3A_127, %broadcast_in_dim3A_27, %broadcast_in_dim3A_29 : vector<16xi1>, vector<16xf32>
      %le3A = arith.constant 1.000000e+00 : f32
      %le3A_129 = vector.broadcast %le3A : f32 to vector<16xf32>
      %le3A_130 = arith.cmpf ole, %gather3A_17, %le3A_129 : vector<16xf32>
      %select_n3A_131 = arith.select %le3A_130, %broadcast_in_dim3A_27, %broadcast_in_dim3A_29 : vector<16xi1>, vector<16xf32>
      %mul3A_132 = arith.mulf %select_n3A_128, %select_n3A_131 : vector<16xf32>
      %mul3A_133 = arith.constant 1.500000e+00 : f32
      %mul3A_134 = vector.broadcast %mul3A_133 : f32 to vector<16xf32>
      %mul3A_135 = arith.mulf %mul3A_132, %mul3A_134 : vector<16xf32>
      %sub3A = arith.subf %broadcast_in_dim3A_27, %mul3A_132 : vector<16xf32>
      %mul3A_136 = arith.mulf %sub3A, %select_n3A_125 : vector<16xf32>
      %add3A_137 = arith.addf %mul3A_135, %mul3A_136 : vector<16xf32>
      %eq3A_138 = arith.constant 0 : i32
      %eq3A_139 = vector.broadcast %eq3A_138 : i32 to vector<16xi32>
      %eq3A_140 = arith.cmpi eq, %iota3A, %eq3A_139 : vector<16xi32>
      %select_n3A_141 = arith.select %eq3A_140, %add3A_137, %broadcast_in_dim3A_29 : vector<16xi1>, vector<16xf32>
      %swap3A = arith.constant 512 : index
      %swap3A_142 = tpu.vector_load %arg4[%swap3A] {strides = array<i32>} : memref<528xf32, #tpu.memory_space<vmem>>, vector<16xf32>,
      %swap3A_143 = vector.shape_cast %swap3A_142 : vector<16xf32> to vector<16xf32>
      %swap3A_144 = vector.shape_cast %select_n3A_141 : vector<16xf32> to vector<16xf32>
      tpu.vector_store %arg4[%swap3A], %swap3A_144 {strides = array<i32>} : memref<528xf32, #tpu.memory_space<vmem>>, vector<16xf32>,
      "tpu.region"() ({
        %run_scoped3A_145 = tpu.sem_alloc : memref<!tpu.dma_semaphore, #tpu.memory_space<semaphore_mem>>
        %dma_start3A_146 = arith.constant 512 : i32
        %dma_start3A_147 = tpu.memref_slice %arg4[%dma_start3A_146] : memref<528xf32, #tpu.memory_space<vmem>> -> memref<16xf32, #tpu.memory_space<vmem>>
        %dma_start3A_148 = arith.constant 512 : i32
        %dma_start3A_149 = tpu.memref_slice %arg4[%dma_start3A_148] : memref<528xf32, #tpu.memory_space<vmem>> -> memref<16xf32, #tpu.memory_space<vmem>>
        tpu.enqueue_dma source(%dma_start3A_149 : memref<16xf32, #tpu.memory_space<vmem>>) target(%arg3 : memref<16xf32, #tpu.memory_space<hbm>>) target_semaphore(%run_scoped3A_145 : memref<!tpu.dma_semaphore, #tpu.memory_space<semaphore_mem>>)
        %dma_wait3A_150 = arith.constant 512 : i32
        %dma_wait3A_151 = tpu.memref_slice %arg4[%dma_wait3A_150] : memref<528xf32, #tpu.memory_space<vmem>> -> memref<16xf32, #tpu.memory_space<vmem>>
        %dma_wait3A_152 = arith.constant 512 : i32
        %dma_wait3A_153 = tpu.memref_slice %arg4[%dma_wait3A_152] : memref<528xf32, #tpu.memory_space<vmem>> -> memref<16xf32, #tpu.memory_space<vmem>>
        tpu.wait_dma2 semaphore(%run_scoped3A_145 : memref<!tpu.dma_semaphore, #tpu.memory_space<semaphore_mem>>) src(%dma_wait3A_153 : memref<16xf32, #tpu.memory_space<vmem>>) dst(%arg3 : memref<16xf32, #tpu.memory_space<hbm>>)
        tpu.yield
      }) : () -> ()
    } else {
    }
    return
  }
}

</mosaic_0001>

<sc_bundles>
// kernel: kernel.3.cloned.1.call-start
scs
__scs_entry_jumppad:
0x0: {  	(pc) =	sbr.rel $0x88, $3  }
0x1: {  	(tag) =	ssettag $0x0;
	lr =	simm.s32 $0x1  }
0x2: {  	[smem:$0x3FA0] =	sst lr;
	_ =	strace $0xD0000000  }
0x3: {  	_ = 	snop  }
0x4: {  	_ = 	snop  }
0x5: {  	_ = 	snop  }
0x6: {  	_ = 	snop  }
0x7: {  	_ = 	snop  }
__scs_overlays_trampoline_lowered:
0x8: {  	[smem:$0x3FAF] =	sst s0  }
0x9: {  	[smem:$0x3FB0] =	sst s1  }
0xa: {  	[smem:$0x3FB1] =	sst s2  }
0xb: {  	[smem:$0x3FB2] =	sst s3  }
0xc: {  	[smem:$0x3FB3] =	sst s4  }
0xd: {  	[smem:$0x3FB4] =	sst s5  }
0xe: {  	[smem:$0x3FB5] =	sst s6  }
0xf: {  	[smem:$0x3FB6] =	sst s7  }
0x10: {  	[smem:$0x3FB7] =	sst s8  }
0x11: {  	[smem:$0x3FB8] =	sst s9;
	s0 =	simm.s32 @!p0 $0x0  }
0x12: {  	s1 =	sld [smem:$0x3F9E];
	s0 =	simm.s32 @p0 $0x1  }
0x13: {  	[smem:$0x3FB9] =	sst s0;
	s0 =	simm.s32 @!p1 $0x0  }
0x14: {  	s2 =	sld [smem:$0x3F9D];
	s0 =	simm.s32 @p1 $0x1  }
0x15: {  	[smem:$0x3FBA] =	sst s0;
	s0 =	simm.s32 @!p2 $0x0  }
0x16: {  	s3 =	sld [smem:$0x3FDB];
	s0 =	simm.s32 @p2 $0x1  }
0x17: {  	s4 =	simm.s32 $0x1BF5;
	[smem:$0x3FBC] =	sst s0  }
0x18: {  	s0 =	sld [smem:$0x3F9F];
	_ =	swait.ge [sflag:s4], $0x0  }
0x19: {  	s7 =	sld [smem:$0x3FA0]  }
0x1a: {  	s8 =	sadd.s32 $0xFFFFE003, lr  }
0x1b: {  	s9 =	sadd.s32 $0xFFFFFEF7, lr;
	s5 =	simm.s32 $0xFFFFFFFF;
	p2 =	slt.u32 s8, $0xFFFFF086  }
0x1c: {  	p1 =	slt.u32 s9, $0xF7A;
	s5 =	simm.s32 @!p2 $0x0  }
0x1d: {  	s5 =	simm.s32 @p1 $0x1;
	p0 =	seq.s32 s7, s2  }
0x1e: {  	s7 =	smul.u32 @!p0 $0xF7A, s2;
	p2 =	seq.s32 @!p0 s5, $0x0  }
0x1f: {  	s9 =	smul.u32 $0xF7A, s1;
	s8 =	simm.s32 @!p0 $0x1BF5;
	p2 =	por !p2, p0  }
0x20: {  	[sflag:s8] =	ssyncset.s32 @!p0 $0xFFFFF086;
	s6 =	sadd.s32 @!p0 s3, s7;
	s7 =	simm.s32 @!p0 $0x108  }
0x21: {  	s3 =	sadd.s32 s3, s9;
	s6 =	sadd.s32 @!p0 $0x88, s6;
	s7 =	simm.s32 @p2 $0x1082  }
0x22: {  	[simem:s7], [sflag:s8] =	dma.local @!p0 [hbm:s6], $0xF7A  }
0x23: {  	s9 =	sor.u32 $0xD0000000, s2;
	s6 =	simm.s32 $0x108;
	_ =	swait.ge @!p0 [sflag:s8], $0x0  }
0x24: {  	s3 =	sadd.s32 $0x88, s3;
	s6 =	simm.s32 @!p1 $0x1082;
	[sflag:s4] =	ssyncset.s32 $0xFFFFF086  }
0x25: {  	[simem:s6], [sflag:s4] =	dma.local [hbm:s3], $0xF7A  }
0x26: {  	[smem:$0x3FA0] =	sst s1;
	(tag) =	ssettag s2;
	_ =	strace s9  }
0x27: {  	s1 =	sld [smem:$0x3FB0]  }
0x28: {  	s2 =	sld [smem:$0x3FB1]  }
0x29: {  	s4 =	sld [smem:$0x3FB3]  }
0x2a: {  	p0 =	seq.s32 s5, $0x0;
	s5 =	sld [smem:$0x3FB4]  }
0x2b: {  	s6 =	sld [smem:$0x3FB5]  }
0x2c: {  	s7 =	sld [smem:$0x3FB6]  }
0x2d: {  	s3 =	simm.s32 $0x108;
	s8 =	sld [smem:$0x3FB7]  }
0x2e: {  	s3 =	simm.s32 @!p0 $0x1082;
	s9 =	sld [smem:$0x3FB8]  }
0x2f: {  	lr =	sadd.s32 s0, s3;
	s0 =	sld [smem:$0x3FAF]  }
0x30: {  	s3 =	sld [smem:$0x3FB2]  }
0x31: {  	[smem:$0x3FBB] =	sst s10  }
0x32: {  	s10 =	sld [smem:$0x3FB9];
	_ =	sdelay $0x3  }
0x33: {  	p0 =	seq.s32 s10, $0x1;
	s10 =	sld [smem:$0x3FBB];
	_ =	sdelay $0x3  }
0x34: {  	[smem:$0x3FBB] =	sst s10  }
0x35: {  	s10 =	sld [smem:$0x3FBA];
	_ =	sdelay $0x3  }
0x36: {  	p1 =	seq.s32 s10, $0x1;
	s10 =	sld [smem:$0x3FBB];
	_ =	sdelay $0x3  }
0x37: {  	[smem:$0x3FBB] =	sst s10  }
0x38: {  	s10 =	sld [smem:$0x3FBC]  }
0x39: {  	_ = 	snop;
	(pc) =	sbr.ind lr, $3  }
0x3a: {  	_ = 	snop  }
0x3b: {  	_ = 	snop  }
0x3c: {  	p2 =	seq.s32 s10, $0x1;
	s10 =	sld [smem:$0x3FBB]  }
0x3d: {  	_ =	shalt  }
0x3e: {  	_ =	shalt  }
0x3f: {  	_ =	shalt  }
0x40: {  	_ =	shalt  }
0x41: {  	_ =	shalt  }
0x42: {  	_ =	shalt  }
0x43: {  	_ =	shalt  }
0x44: {  	_ =	shalt  }
0x45: {  	_ =	shalt  }
0x46: {  	_ =	shalt  }
0x47: {  	_ =	shalt  }
0x48: {  	_ =	shalt  }
0x49: {  	_ =	shalt  }
0x4a: {  	_ =	shalt  }
0x4b: {  	_ =	shalt  }
0x4c: {  	_ =	shalt  }
0x4d: {  	_ =	shalt  }
0x4e: {  	_ =	shalt  }
0x4f: {  	_ =	shalt  }
0x50: {  	_ =	shalt  }
0x51: {  	_ =	shalt  }
0x52: {  	_ =	shalt  }
0x53: {  	_ =	shalt  }
0x54: {  	_ =	shalt  }
0x55: {  	_ =	shalt  }
0x56: {  	_ =	shalt  }
0x57: {  	_ =	shalt  }
0x58: {  	_ =	shalt  }
0x59: {  	_ =	shalt  }
0x5a: {  	_ =	shalt  }
0x5b: {  	_ =	shalt  }
0x5c: {  	_ =	shalt  }
0x5d: {  	_ =	shalt  }
0x5e: {  	_ =	shalt  }
0x5f: {  	_ =	shalt  }
0x60: {  	_ =	shalt  }
0x61: {  	_ =	shalt  }
0x62: {  	_ =	shalt  }
0x63: {  	_ =	shalt  }
0x64: {  	_ =	shalt  }
0x65: {  	_ =	shalt  }
0x66: {  	_ =	shalt  }
0x67: {  	_ =	shalt  }
0x68: {  	_ =	shalt  }
0x69: {  	_ =	shalt  }
0x6a: {  	_ =	shalt  }
0x6b: {  	_ =	shalt  }
0x6c: {  	_ =	shalt  }
0x6d: {  	_ =	shalt  }
0x6e: {  	_ =	shalt  }
0x6f: {  	_ =	shalt  }
0x70: {  	_ =	shalt  }
0x71: {  	_ =	shalt  }
0x72: {  	_ =	shalt  }
0x73: {  	_ =	shalt  }
0x74: {  	_ =	shalt  }
0x75: {  	_ =	shalt  }
0x76: {  	_ =	shalt  }
0x77: {  	_ =	shalt  }
0x78: {  	_ =	shalt  }
0x79: {  	_ =	shalt  }
0x7a: {  	_ =	shalt  }
0x7b: {  	_ =	shalt  }
0x7c: {  	_ =	shalt  }
0x7d: {  	_ =	shalt  }
0x7e: {  	_ =	shalt  }
0x7f: {  	_ =	shalt  }
0x80: {  	_ =	shalt  }
0x81: {  	_ =	shalt  }
0x82: {  	_ =	shalt  }
0x83: {  	_ =	shalt  }
0x84: {  	_ =	shalt  }
0x85: {  	_ =	shalt  }
0x86: {  	_ =	shalt  }
0x87: {  	_ =	shalt  }
.Lfunc_end0:
.L_simem_size_0:
called_computation_lowered:
.L_overlay_start_0:
0x88: {  	s0 =	sld [smem:$0x3FD9]  }
0x89: {  	s1 =	sld [smem:$0x3FFE];
	_ =	sdelay $0x3  }
0x8a: {  	s0 =	sadd.s32 s1, s0  }
0x8b: {  	[smem:$0x3FC7] =	sst s0  }
0x8c: {  	_ = 	snop  }
0x8d: {  	s0 =	sld [smem:$0x3FD0];
	_ =	sdelay $0x2  }
0x8e: {  	s2 =	simm.s32 $0xA;
	s3 =	simm.s32 $0x10;
	s14 =	sld [smem:$0x3FC9]  }
0x8f: {  	[smem:s3], [sflag:s2] =	dma.local [hbm:s0], $0x1  }
0x90: {  	_ =	swait.eq [sflag:s2], $0x1  }
0x91: {  	[sflag:s2] =	ssyncset.done $0x0  }
0x92: {  	[sflag:s2] =	ssyncadd.s32 $0xFFFFFFFF  }
0x93: {  	s15 =	sld [smem:$0x11];
	(tm) =	ssettm $0x1  }
0x94: {  	s16 =	sld [smem:$0x3FFB];
	_ =	sdelay $0x3  }
0x95: {  	_ =	strace s16  }
0x96: {  	s2 =	sld [smem:$0x3FFC];
	_ =	sdelay $0x3  }
0x97: {  	_ =	strace s2  }
0x98: {  	s2 =	sld [smem:$0x3FFD];
	_ =	sdelay $0x3  }
0x99: {  	_ =	strace s2  }
0x9a: {  	_ =	strace $0x8FFFFFFF  }
0x9b: {  	s17 =	sld [smem:$0x3FDB];
	_ =	sdelay $0x1  }
0x9c: {  	s18 =	simm.s32 $_scs_section_size  }
0x9d: {  	s4 =	simm.s32 $_size__tile_overlayer_lowered;
	s5 =	simm.s32 $_tile_overlayer_lowered  }
0x9e: {  	s21 =	simm.s32 $0x1BFF;
	s20 =	sshll.u32 s5, $0x1;
	s2 =	sadd.s32 s18, s17  }
0x9f: {  	s6 =	simm.s32 $0x0;
	s19 =	sshll.u32 s4, $0x1;
	s4 =	sadd.s32 s20, s2  }
0xa0: {  	[timem:s6], [sflag:s21] =	dma.local [hbm:s4], s19  }
0xa1: {  	_ =	swait.ge [sflag:s21], s19  }
0xa2: {  	s3 =	ssub.s32 $0x0, s19;
	[sflag:s21] =	ssyncset.done $0x0  }
0xa3: {  	[sflag:s21] =	ssyncadd.s32 s3;
	_ =	sdelay $0x1  }
0xa4: {  	s22 =	simm.s32 $0x1B8B  }
0xa5: {  	_ =	swait.ge [sflag:s22], $0x1  }
0xa6: {  	[sflag:s22] =	ssyncset.done $0x0  }
0xa7: {  	s23 =	simm.s32 $0x1B8E;
	[sflag:s22] =	ssyncadd.s32 $0xFFFFFFFF  }
0xa8: {  	s24 =	simm.s32 $execute0_lowered;
	[smem:$0x3FD2] =	sst s23  }
0xa9: {  	s3 =	sshll.u32 s24, $0x1;
	_ =	strace $0x80000046;
	[dreg:$0x1] =	wrdreg $0xFFFFFFFF  }
0xaa: {  	s25 =	simm.s32 $_size_execute0_lowered;
	s2 =	sadd.s32 s2, s3;
	[dreg:$0x0] =	wrdreg $0x0  }
0xab: {  	s3 =	sshll.u32 s25, $0x1;
	[dreg:$0x2] =	wrdreg s2  }
0xac: {  	[dreg:$0x3] =	wrdreg s3  }
0xad: {  	[dreg:$0x4] =	wrdreg $0xC0  }
0xae: {  	_ =	task [dreg:s6], $0x5FFFF  }
0xaf: {  	[dreg:$0x1] =	wrdreg $0xFFFFFFFF  }
0xb0: {  	[dreg:$0x0] =	wrdreg $0x60  }
0xb1: {  	[dreg:$0x2] =	wrdreg s14  }
0xb2: {  	[dreg:$0x3] =	wrdreg s15  }
0xb3: {  	[dreg:$0x4] =	wrdreg $0x2800  }
0xb4: {  	[dreg:$0x5] =	wrdreg $0x9  }
0xb5: {  	_ =	task.clear_ibuf [dreg:s6], $0x6FFFF;
	_ =	strace $0x90000046  }
0xb6: {  	s26 =	simm.s32 $0x9;
	_ =	strace $0x80000048  }
0xb7: {  	_ =	swait.ge [sflag:s26], $0x1  }
0xb8: {  	[sflag:s26] =	ssyncadd.s32 $0xFFFFFFFF  }
0xb9: {  	_ =	strace $0x90000048  }
0xba: {  	_ =	sfence  }
0xbb: {  	s28 =	sld [smem:$0x0];
	_ =	sdelay $0x1  }
0xbc: {  	s29 =	srdreg.scid  }
0xbd: {  	s30 =	sshll.u32 s29, $0xD;
	s31 =	sshrl.u32 s29, $0x2  }
0xbe: {  	s1 =	sand.u32 $0x1, s29;
	s2 =	sand.u32 $0x4000, s30;
	s0 =	sadd.s32 s31, s28  }
0xbf: {  	s1 =	sor.u32 s2, s1;
	s0 =	sshll.u32 s0, $0x11  }
0xc0: {  	s0 =	sor.u32 s0, s1  }
0xc1: {  	s0 =	sadd.s32 $0x8F2B, s0  }
0xc2: {  	[sflag:s0] =	ssyncadd.remote.s32 $0x1  }
0xc3: {  	_ =	sfence.sel $0xFFFF  }
0xc4: {  	[dreg:$0x0] =	wrdreg $0xFFFFFFFF;
	(pc) =	sbr.abs _section_cstart, $3  }
0xc5: {  	[dreg:$0x1] =	wrdreg $0xFFFFFFFF  }
0xc6: {  	_ =	task.clear_ibuf [dreg:s6], $0x2FFFF;
	_ =	strace $0x9FFFFFFF  }
0xc7: {  	(tm) =	ssettm $0x7FFFFFFF  }
tec
execute0_lowered:
.L_overlay_start_1:
0x0: {  	(tag) =	ssettag $0x1  }
0x1: {  	s5 =	rddreg [dreg:$0x0]  }
0x2: {  	s2 =	rddreg [dreg:$0x1]  }
0x3: {  	s3 =	rddreg [dreg:$0x2];
	s6 =	simm.s32 $0x0;
	s1 =	stileid.u32  }
0x4: {  	[smem:$0x7FF] =	sst s6;
	s4 =	sshll.u32 s1, $0x6  }
0x5: {  	s0 =	rddreg [dreg:$0x3];
	_ =	strace $0x80000047;
	s7 =	sadd.s32 s5, s4  }
0x6: {  	[tilespmem:s6], [sflag:$0x1] =	stream.linear.gather [hbm4b:s7+s6], $0x200, $0x38;
	[tilespmem:$0x290] =	vst v63  }
0x7: {  	s28 =	simm.s32 $0x200;
	s29 =	simm.s32 $0x2;
	s5 =	sadd.s32 $0x5, s5  }
0x8: {  	[tilespmem:s28], [sflag:$0x2] =	stream.linear.gather [hbm4b:s5+s6], $0x10, $0x38;
	[tilespmem:$0x290] =	vst v63  }
0x9: {  	_ =	swait.ge [sflag:s29], $0x10  }
0xa: {  	[sflag:s29] =	ssyncset.done $0x0  }
0xb: {  	s30 =	simm.s32 $0x1;
	[sflag:s29] =	ssyncadd.s32 $0xFFFFFFF0  }
0xc: {  	v0 =	vld [tilespmem:$0x200];
	_ =	swait.ge [sflag:s30], $0x200  }
0xd: {  	[sflag:s30] =	ssyncset.done $0x0  }
0xe: {  	s31 =	simm.s32 $0x0;
	[sflag:s30] =	ssyncadd.s32 $0xFFFFFE00  }
0xf: {  	v2 =	vld [tilespmem:s31+$0x0];
	_ =	sdelay $0x1  }
0x10: {  	v1 =	vimm.s32 $0x2;
	v3 =	vld [tilespmem:s31+$0x10]  }
0x11: {  	v4 =	vimm.f32 $0.0e+00;
	s5 =	simm.s32 $0x80;
	v0 =	vperm.xlane v0, v1;
	v1 =	vimm.f32 $0.0e+00  }
.LBB2_1:
0x12: {  	p0 =	sne.s32 s5, $0x780  }
.Ltmp0:
0x13: {  	s6 =	sshra.s32 s5, $0x2;
	s5 =	sadd.s32 $0x80, s5;
	vm0 =	vgt.f32 v2, v0;
	(pc) =	sbr.rel @p0 .LBB2_1-.Ltmp0, $4  }
0x14: {  	v2 =	vld [tilespmem:s6+$0x0];
	v5 =	vsel vm0, $0x3F800000, v1  }
0x15: {  	v4 =	vadd.f32 v5, v4;
	vm0 =	vgt.f32 v3, v0  }
0x16: {  	v3 =	vld [tilespmem:s6+$0x10];
	v5 =	vsel vm0, $0x3F800000, v1  }
0x17: {  	v4 =	vadd.f32 v5, v4  }
0x18: {  	p0 =	seq.s32 s1, $0x0  }
.Ltmp1:
0x19: {  	vm0 =	vgt.f32 v2, v0;
	(pc) =	sbr.rel @p0 .LBB2_4-.Ltmp1, $4  }
0x1a: {  	v2 =	vsel vm0, $0x3F800000, v1  }
0x1b: {  	v2 =	vadd.f32 v2, v4;
	vm15 =	vgt.f32 v3, v0  }
0x1c: {  	v1 =	vsel vm15, $0x3F800000, v1  }
0x1d: {  	v1 =	vadd.f32 v1, v2  }
0x1e: {  	s2 =	sshrl.u32 s4, $0x2  }
0x1f: {  	s2 =	sadd.s32 s2, s3  }
0x20: {  	s30 =	simm.s32 $0x200;
	s31 =	simm.s32 $0x2;
	[tilespmem:$0x200] =	vst v1;
	s2 =	sadd.s32 $0xFFFFFFF0, s2  }
0x21: {  	[spmem:s2] =	stream.linear.scatter [tilespmem:s30], [sflag:$0x2], $0x10, $0x38;
	[tilespmem:$0x290] =	vst v63  }
.Ltmp2:
0x22: {  	_ =	swait.ge [sflag:s31], $0x10;
	(pc) =	sbr.rel .LBB2_5-.Ltmp2, $3  }
0x23: {  	[sflag:s31] =	ssyncset.done $0x0  }
0x24: {  	[sflag:s31] =	ssyncadd.s32 $0xFFFFFFF0  }
0x25: {  	[bflag:$0x0] =	sbarrier.arrive $0xFFFF;
	_ =	sdelay $0x1  }
.LBB2_4:
0x26: {  	v2 =	vld [tilespmem:$0x0];
	_ =	sdelay $0x1  }
0x27: {  	v3 =	vld [tilespmem:$0x10]  }
0x28: {  	v4 =	vld [tilespmem:$0x20];
	[bflag:$0x0] =	sbarrier.arrive $0xFFFF;
	s4 =	simm.s32 $0x0;
	s31 =	simm.s32 $0x2  }
0x29: {  	[tilespmem:s4], [sflag:$0x2] =	stream.linear.gather [spmem:s3], $0xF0, $0x38;
	[tilespmem:$0x290] =	vst v63  }
0x2a: {  	v33 =	vimm.f32 $0.0e+00;
	_ =	swait.ge [sflag:s31], $0xF0;
	vm0 =	veq.f32 v2, v0  }
0x2b: {  	[sflag:s31] =	ssyncset.done $0x0;
	v5 =	vsel vm0, $0x3F800000, v33  }
0x2c: {  	[sflag:s31] =	ssyncadd.s32 $0xFFFFFF10;
	vm10 =	veq.f32 v3, v0;
	v1 =	vadd.f32 v5, v1  }
0x2d: {  	vm11 =	vcmask $0x2700;
	v34 =	vld [tilespmem:$0x0];
	v3 =	vsel vm10, $0x3F800000, v33  }
0x2e: {  	v35 =	vsel vm11, $0x3F800000, v33;
	vm1 =	veq.f32 v4, v0;
	v1 =	vadd.f32 v3, v1  }
0x2f: {  	v36 =	vld [tilespmem:$0x10];
	v3 =	vnsel vm1, $0x0, v35  }
0x30: {  	v1 =	vadd.f32 v3, v1  }
0x31: {  	v37 =	vld [tilespmem:$0x20]  }
0x32: {  	v1 =	vadd.f32 v34, v1  }
0x33: {  	v38 =	vld [tilespmem:$0x30]  }
0x34: {  	v1 =	vadd.f32 v36, v1  }
0x35: {  	v39 =	vld [tilespmem:$0x40]  }
0x36: {  	v1 =	vadd.f32 v37, v1  }
0x37: {  	v40 =	vld [tilespmem:$0x50]  }
0x38: {  	v1 =	vadd.f32 v38, v1  }
0x39: {  	v41 =	vld [tilespmem:$0x60]  }
0x3a: {  	v1 =	vadd.f32 v39, v1  }
0x3b: {  	v42 =	vld [tilespmem:$0x70]  }
0x3c: {  	v1 =	vadd.f32 v40, v1  }
0x3d: {  	v43 =	vld [tilespmem:$0x80]  }
0x3e: {  	v1 =	vadd.f32 v41, v1  }
0x3f: {  	v44 =	vld [tilespmem:$0x90]  }
0x40: {  	v1 =	vadd.f32 v42, v1  }
0x41: {  	v45 =	vld [tilespmem:$0xA0]  }
0x42: {  	v1 =	vadd.f32 v43, v1  }
0x43: {  	v46 =	vld [tilespmem:$0xB0]  }
0x44: {  	v1 =	vadd.f32 v44, v1  }
0x45: {  	v47 =	vld [tilespmem:$0xC0]  }
0x46: {  	v1 =	vadd.f32 v45, v1  }
0x47: {  	v6 =	vimm.s32 $0xFEDCBA98;
	v48 =	vld [tilespmem:$0xD0]  }
0x48: {  	v50 =	vimm.s32 $0x76543210;
	v6 =	vunpack.c.l.s4.s8 v6;
	v1 =	vadd.f32 v46, v1  }
0x49: {  	v49 =	vld [tilespmem:$0xE0];
	v5 =	vunpack.c.l.s4.s8 v50  }
0x4a: {  	v51 =	vunpack.c.0.s8.s32 v6;
	v1 =	vadd.f32 v47, v1  }
0x4b: {  	v53 =	vimm.s32 $0x3210FEDC;
	v5 =	vunpack.c.0.s8.s32 v5  }
0x4c: {  	v54 =	vimm.s32 $0xBA987654;
	v52 =	vand.u32 $0xF, v51;
	v1 =	vadd.f32 v48, v1  }
0x4d: {  	v4 =	vunpack.c.l.s4.s8 v53;
	v3 =	vcombine.low v52, v5;
	v5 =	vunpack.c.l.s4.s8 v54  }
0x4e: {  	v1 =	vadd.f32 v49, v1  }
0x4f: {  	v4 =	vunpack.c.0.s8.s32 v4;
	v5 =	vunpack.c.0.s8.s32 v5  }
0x50: {  	v3 =	vperm.xlane v1, v3  }
0x51: {  	v56 =	vimm.s32 $0x10FEDCBA;
	v57 =	vimm.s32 $0x98765432;
	v55 =	vcombine.low v5, v4  }
0x52: {  	v4 =	vunpack.c.l.s4.s8 v56;
	v5 =	vunpack.c.l.s4.s8 v57;
	v1 =	vadd.f32 v3, v1  }
0x53: {  	v59 =	vimm.s32 $0x87654321  }
0x54: {  	v4 =	vunpack.c.0.s8.s32 v4;
	v5 =	vunpack.c.0.s8.s32 v5;
	v3 =	vperm.xlane v1, v55  }
0x55: {  	v58 =	vimm.s32 $0xFEDCBA9;
	v60 =	vunpack.c.l.s4.s8 v59  }
0x56: {  	v4 =	vcombine.low v5, v4;
	v1 =	vadd.f32 v3, v1;
	v3 =	vunpack.c.l.s4.s8 v58;
	_ =	sdelay $0x1  }
0x57: {  	v5 =	vunpack.c.0.s8.s32 v60;
	v4 =	vperm.xlane v1, v4;
	v3 =	vunpack.c.0.s8.s32 v3;
	_ =	sdelay $0x1  }
0x58: {  	v1 =	vadd.f32 v4, v1;
	v3 =	vcombine.low v5, v3;
	_ =	sdelay $0x1  }
0x59: {  	v3 =	vperm.xlane v1, v3  }
0x5a: {  	vm12 =	vge.f32 v0, $1.000000010e-01;
	vm13 =	vle.f32 v0, $1.000000000e+00  }
0x5b: {  	vm0 =	vmand vm12, vm13;
	v61 =	vadd.f32 v3, v1  }
0x5c: {  	v62 =	vsel vm0, $0x3F800000, v33  }
0x5d: {  	v63 =	vsub.f32 $1.000000000e+00, v62;
	vm14 =	vlt.f32 v61, $1.000000000e+01  }
0x5e: {  	v2 =	vsel vm14, $0x3F800000, v33  }
0x5f: {  	v1 =	vmul.f32 $1.500000000e+00, v62;
	v0 =	vmul.f32 v2, v63;
	_ =	sdelay $0x1  }
0x60: {  	v0 =	vadd.f32 v0, v1  }
0x61: {  	vm15 =	vmmov $0x1  }
0x62: {  	v0 =	vnsel vm15, $0x0, v0  }
0x63: {  	s5 =	simm.s32 $0x200;
	[tilespmem:$0x200] =	vst v0  }
0x64: {  	[hbm4b:s2+s4] =	stream.linear.scatter [tilespmem:s5], [sflag:$0x2], $0x10, $0x38;
	[tilespmem:$0x290] =	vst v63  }
0x65: {  	_ =	swait.ge [sflag:s31], $0x10  }
0x66: {  	[sflag:s31] =	ssyncset.done $0x0  }
0x67: {  	[sflag:s31] =	ssyncadd.s32 $0xFFFFFFF0  }
.LBB2_5:
0x68: {  	_ =	sfence.sel $0x180000  }
0x69: {  	[bflag:$0x0] =	sbarrier.arrive $0xFFFF  }
0x6a: {  	p0 =	sne.s32 s1, $0x0;
	_ =	strace $0x90000047  }
0x6b: {  	s0 =	sadd.s32 @!p0 $0x100000, s0;
	[bflag:$0x2] =	sbarrier.arrive $0xFFFF  }
0x6c: {  	[sflag:s0] =	ssyncadd.tile.s32 @!p0 $0x1;
	_ =	shalt  }
.Lfunc_end2:
_tile_overlayer_lowered:
.L_overlay_start_2:
0x6d: {  	(tag) =	ssettag $0x2  }
0x6e: {  	s0 =	rddreg [dreg:$0x0];
	s2 =	stileid.u32  }
0x6f: {  	s1 =	rddreg [dreg:$0x1];
	p0 =	sne.s32 s2, $0x0  }
0x70: {  	s3 =	rddreg [dreg:$0x2];
	[bflag:$0x3] =	sbarrier.arrive $0xFFFF;
	s2 =	simm.s32 @!p0 $0x1C02  }
0x71: {  	[timem:s3], [sflag:s2] =	dma.local @!p0 [hbm:s0], s1  }
0x72: {  	s0 =	simm.s32 @!p0 $0x2  }
0x73: {  	_ =	swait.ge @!p0 [sflag:s0], s1  }
0x74: {  	s1 =	ssub.s32 @!p0 $0x0, s1;
	[sflag:s0] =	ssyncset.done @!p0 $0x0  }
0x75: {  	[sflag:s0] =	ssyncadd.s32 @!p0 s1  }
0x76: {  	[bflag:$0x3] =	sbarrier.arrive $0xFFFF  }
0x77: {  	_ =	shalt  }

</sc_bundles>
